<compile_context>
chip_gen: v7x
topology: tpu7x:2x2x1
jax: 0.10.2.dev20260603
libtpu: 0.0.44.dev20260713+nightly
codegen_flags: <defaults>
</compile_context>

<pallas_src>
import jax
import jax.numpy as jnp
import numpy as np
from jax.experimental import pallas as pl

B = 16
N = 1024
S1 = 204
S2 = 51
R1 = 0.2
R2 = 0.4
MAXN = 64
OUT_DIM = 64


def _mlp_apply(params, x):
    for (W, b) in params:
        x = jax.nn.relu(x @ W + b)
    return x


def _fps_batched(pos, S):
    sel = jnp.zeros((pos.shape[0], S), dtype=jnp.int32)
    d = jnp.sum((pos - pos[:, 0:1, :]) ** 2, axis=-1)
    for i in range(1, S):
        nxt = jnp.argmax(d, axis=1).astype(jnp.int32)
        sel = sel.at[:, i].set(nxt)
        newpt = jnp.take_along_axis(pos, nxt[:, None, None], axis=1)
        d = jnp.minimum(d, jnp.sum((pos - newpt) ** 2, axis=-1))
    return sel


def _gather_rows(x, idx):
    return jax.vmap(lambda xb, ib: xb[ib])(x, idx)


def _sa_module(x, pos, params, S, r):
    idx = _fps_batched(pos, S)
    centers = jnp.take_along_axis(pos, idx[:, :, None], axis=1)
    d2 = jnp.sum((centers[:, :, None, :] - pos[:, None, :, :]) ** 2, axis=-1)
    k = min(MAXN, pos.shape[1])
    neg, nidx = jax.lax.top_k(-d2, k)
    valid = (-neg) <= r * r
    xj = _gather_rows(x, nidx)
    pj = _gather_rows(pos, nidx)
    rel = pj - centers[:, :, None, :]
    h = _mlp_apply(params, jnp.concatenate([xj, rel], axis=-1))
    h = jnp.where(valid[..., None], h, -1e30)
    return jnp.max(h, axis=2), centers


def _global_sa(x, pos, params):
    h = _mlp_apply(params, jnp.concatenate([x, pos], axis=-1))
    g = jnp.max(h, axis=1, keepdims=True)
    return g, jnp.zeros((x.shape[0], 1, 3), jnp.float32)


def _knn_interpolate(x, pos, pos_skip, k):
    d2 = jnp.sum((pos_skip[:, :, None, :] - pos[:, None, :, :]) ** 2, axis=-1)
    kk = min(k, pos.shape[1])
    neg, idx = jax.lax.top_k(-d2, kk)
    w = 1.0 / jnp.clip(-neg, 1e-16, None)
    xj = _gather_rows(x, idx)
    return jnp.sum(w[..., None] * xj, axis=2) / jnp.sum(w, axis=2, keepdims=True)


def _fp_module(x, pos, x_skip, pos_skip, params, k):
    xi = _knn_interpolate(x, pos, pos_skip, k)
    xi = jnp.concatenate([xi, x_skip], axis=-1)
    return _mlp_apply(params, xi)


def _copy_body(i_ref, o_ref):
    o_ref[...] = i_ref[...]


def kernel(x, pos, batch, sa1_params, sa2_params, sa3_params, fp3_params, fp2_params, fp1_params):
    x0 = x.reshape(B, N, 3)
    p0 = pos.reshape(B, N, 3)
    x1, p1 = _sa_module(x0, p0, sa1_params, S1, R1)
    x2, p2 = _sa_module(x1, p1, sa2_params, S2, R2)
    x3, p3 = _global_sa(x2, p2, sa3_params)
    f3 = _fp_module(x3, p3, x2, p2, fp3_params, 1)
    f2 = _fp_module(f3, p2, x1, p1, fp2_params, 3)
    f1 = _fp_module(f2, p1, x0, p0, fp1_params, 3)
    return pl.pallas_call(
        _copy_body,
        out_shape=jax.ShapeDtypeStruct(f1.shape, f1.dtype),
    )(f1)

# --- scband reference (transcript-rebuilt; emitter-appended) ---
"""Pipeline reference for scband-object-pointwise-encoder-33715493273851 (READ-ONLY COPY).

The authoritative reference and input builder live on the scoring server;
editing this copy changes nothing except your own understanding.
"""

import jax, jax.numpy as jnp
import numpy as np

B = 16
N = 1024
S1 = 204
S2 = 51
R1 = 0.2
R2 = 0.4
MAXN = 64
OUT_DIM = 64

def make_mlp(key, dims):
    params = []
    for i in range(len(dims) - 1):
        key, k1 = jax.random.split(key)
        W = jax.random.normal(k1, (dims[i], dims[i + 1]), jnp.float32) * (1.0 / np.sqrt(dims[i]))
        b = jnp.zeros((dims[i + 1],), jnp.float32)
        params.append((W, b))
    return key, params

def setup_inputs(seed: int = 0):
    key = jax.random.key(seed)
    key, kx, kp = jax.random.split(key, 3)
    x = jax.random.normal(kx, (B * N, 3), jnp.float32)
    pos = jax.random.uniform(kp, (B * N, 3), jnp.float32)
    batch = jnp.repeat(jnp.arange(B, dtype=jnp.int32), N).astype(jnp.int64)
    key, sa1 = make_mlp(key, [6, 64, 64, 128])
    key, sa2 = make_mlp(key, [131, 128, 128, 256])
    key, sa3 = make_mlp(key, [259, 256, 512, 1024])
    key, fp3 = make_mlp(key, [1280, 256, 256])
    key, fp2 = make_mlp(key, [384, 256, 128])
    key, fp1 = make_mlp(key, [131, 128, 128, OUT_DIM])
    return {"x": x, "pos": pos, "batch": batch, "sa1_params": sa1, "sa2_params": sa2, "sa3_params": sa3, "fp3_params": fp3, "fp2_params": fp2, "fp1_params": fp1}

def mlp_apply(params, x):
    for (W, b) in params:
        x = jax.nn.relu(x @ W + b)
    return x

def fps_batched(pos, S):
    sel = jnp.zeros((pos.shape[0], S), dtype=jnp.int32)
    d = jnp.sum((pos - pos[:, 0:1, :]) ** 2, axis=-1)
    for i in range(1, S):
        nxt = jnp.argmax(d, axis=1).astype(jnp.int32)
        sel = sel.at[:, i].set(nxt)
        newpt = jnp.take_along_axis(pos, nxt[:, None, None], axis=1)
        d = jnp.minimum(d, jnp.sum((pos - newpt) ** 2, axis=-1))
    return sel

def gather_rows(x, idx):
    return jax.vmap(lambda xb, ib: xb[ib])(x, idx)

def sa_module(x, pos, params, S, r):
    idx = fps_batched(pos, S)
    centers = jnp.take_along_axis(pos, idx[:, :, None], axis=1)
    d2 = jnp.sum((centers[:, :, None, :] - pos[:, None, :, :]) ** 2, axis=-1)
    k = min(MAXN, pos.shape[1])
    neg, nidx = jax.lax.top_k(-d2, k)
    valid = (-neg) <= r * r
    xj = gather_rows(x, nidx)
    pj = gather_rows(pos, nidx)
    rel = pj - centers[:, :, None, :]
    h = mlp_apply(params, jnp.concatenate([xj, rel], axis=-1))
    h = jnp.where(valid[..., None], h, -1e30)
    return jnp.max(h, axis=2), centers

def global_sa(x, pos, params):
    h = mlp_apply(params, jnp.concatenate([x, pos], axis=-1))
    g = jnp.max(h, axis=1, keepdims=True)
    return g, jnp.zeros((x.shape[0], 1, 3), jnp.float32)

def knn_interpolate(x, pos, pos_skip, k):
    d2 = jnp.sum((pos_skip[:, :, None, :] - pos[:, None, :, :]) ** 2, axis=-1)
    kk = min(k, pos.shape[1])
    neg, idx = jax.lax.top_k(-d2, kk)
    w = 1.0 / jnp.clip(-neg, 1e-16, None)
    xj = gather_rows(x, idx)
    return jnp.sum(w[..., None] * xj, axis=2) / jnp.sum(w, axis=2, keepdims=True)

def fp_module(x, pos, x_skip, pos_skip, params, k):
    xi = knn_interpolate(x, pos, pos_skip, k)
    xi = jnp.concatenate([xi, x_skip], axis=-1)
    return mlp_apply(params, xi)

def reference(x, pos, batch, sa1_params, sa2_params, sa3_params, fp3_params, fp2_params, fp1_params):
    x0 = x.reshape(B, N, 3)
    p0 = pos.reshape(B, N, 3)
    x1, p1 = sa_module(x0, p0, sa1_params, S1, R1)
    x2, p2 = sa_module(x1, p1, sa2_params, S2, R2)
    x3, p3 = global_sa(x2, p2, sa3_params)
    f3 = fp_module(x3, p3, x2, p2, fp3_params, 1)
    f2 = fp_module(f3, p2, x1, p1, fp2_params, 3)
    f1 = fp_module(f2, p1, x0, p0, fp1_params, 3)
    return f1

if __name__ == "__main__":
    import jax
    _d = setup_inputs()
    print(jax.jit(kernel)(*tuple(_d.values())))

</pallas_src>

<mosaic_0001>
module attributes {stable_mosaic.version = 14 : i64} {
  func.func @_copy_body(%arg0: memref<16x1024x64xf32, #tpu.memory_space<vmem>>, %arg1: memref<16x1024x64xf32, #tpu.memory_space<vmem>>) attributes {dimension_semantics = [], scalar_prefetch = 0 : i64, scratch_operands = 0 : i64, tpu.core_type = #tpu.core_type<tc>} {
    %get3A = arith.constant 0 : index
    %get3A_0 = arith.constant 0 : index
    %get3A_1 = arith.constant 0 : index
    %get3A_2 = vector.load %arg0[%get3A, %get3A_0, %get3A_1] : memref<16x1024x64xf32, #tpu.memory_space<vmem>>, vector<16x1024x64xf32>
    %swap3A = arith.constant 0 : index
    %swap3A_3 = arith.constant 0 : index
    %swap3A_4 = arith.constant 0 : index
    %swap3A_5 = vector.load %arg1[%swap3A, %swap3A_3, %swap3A_4] : memref<16x1024x64xf32, #tpu.memory_space<vmem>>, vector<16x1024x64xf32>
    tpu.vector_store %arg1[%swap3A, %swap3A_3, %swap3A_4], %get3A_2 {strides = array<i32>} : memref<16x1024x64xf32, #tpu.memory_space<vmem>>, vector<16x1024x64xf32>,
    return
  }
}

</mosaic_0001>

<sc_bundles>
// kernel: gather_offload_async_start
scs
__scs_entry_jumppad:
0x0: {  	(pc) =	sbr.rel $0x88, $3  }
0x1: {  	(tag) =	ssettag $0x0;
	lr =	simm.s32 $0x1  }
0x2: {  	[smem:$0x3F7F] =	sst lr;
	_ =	strace $0xD0000000  }
0x3: {  	_ = 	snop  }
0x4: {  	_ = 	snop  }
0x5: {  	_ = 	snop  }
0x6: {  	_ = 	snop  }
0x7: {  	_ = 	snop  }
__scs_overlays_trampoline_lowered:
0x8: {  	[smem:$0x3F8E] =	sst s0  }
0x9: {  	[smem:$0x3F8F] =	sst s1  }
0xa: {  	[smem:$0x3F90] =	sst s2  }
0xb: {  	[smem:$0x3F91] =	sst s3  }
0xc: {  	[smem:$0x3F92] =	sst s4  }
0xd: {  	[smem:$0x3F93] =	sst s5  }
0xe: {  	[smem:$0x3F94] =	sst s6  }
0xf: {  	[smem:$0x3F95] =	sst s7  }
0x10: {  	[smem:$0x3F96] =	sst s8  }
0x11: {  	[smem:$0x3F97] =	sst s9;
	s0 =	simm.s32 @!p0 $0x0  }
0x12: {  	s1 =	sld [smem:$0x3F7D];
	s0 =	simm.s32 @p0 $0x1  }
0x13: {  	[smem:$0x3F98] =	sst s0;
	s0 =	simm.s32 @!p1 $0x0  }
0x14: {  	s2 =	sld [smem:$0x3F7C];
	s0 =	simm.s32 @p1 $0x1  }
0x15: {  	[smem:$0x3F99] =	sst s0;
	s0 =	simm.s32 @!p2 $0x0  }
0x16: {  	s3 =	sld [smem:$0x3FDB];
	s0 =	simm.s32 @p2 $0x1  }
0x17: {  	s4 =	simm.s32 $0x1BF5;
	[smem:$0x3F9B] =	sst s0  }
0x18: {  	s0 =	sld [smem:$0x3F7E];
	_ =	swait.ge [sflag:s4], $0x0  }
0x19: {  	s7 =	sld [smem:$0x3F7F]  }
0x1a: {  	s8 =	sadd.s32 $0xFFFFE003, lr  }
0x1b: {  	s9 =	sadd.s32 $0xFFFFFEF7, lr;
	s5 =	simm.s32 $0xFFFFFFFF;
	p2 =	slt.u32 s8, $0xFFFFF086  }
0x1c: {  	p1 =	slt.u32 s9, $0xF7A;
	s5 =	simm.s32 @!p2 $0x0  }
0x1d: {  	s5 =	simm.s32 @p1 $0x1;
	p0 =	seq.s32 s7, s2  }
0x1e: {  	s7 =	smul.u32 @!p0 $0xF7A, s2;
	p2 =	seq.s32 @!p0 s5, $0x0  }
0x1f: {  	s9 =	smul.u32 $0xF7A, s1;
	s8 =	simm.s32 @!p0 $0x1BF5;
	p2 =	por !p2, p0  }
0x20: {  	[sflag:s8] =	ssyncset.s32 @!p0 $0xFFFFF086;
	s6 =	sadd.s32 @!p0 s3, s7;
	s7 =	simm.s32 @!p0 $0x108  }
0x21: {  	s3 =	sadd.s32 s3, s9;
	s6 =	sadd.s32 @!p0 $0x88, s6;
	s7 =	simm.s32 @p2 $0x1082  }
0x22: {  	[simem:s7], [sflag:s8] =	dma.local @!p0 [hbm:s6], $0xF7A  }
0x23: {  	s9 =	sor.u32 $0xD0000000, s2;
	s6 =	simm.s32 $0x108;
	_ =	swait.ge @!p0 [sflag:s8], $0x0  }
0x24: {  	s3 =	sadd.s32 $0x88, s3;
	s6 =	simm.s32 @!p1 $0x1082;
	[sflag:s4] =	ssyncset.s32 $0xFFFFF086  }
0x25: {  	[simem:s6], [sflag:s4] =	dma.local [hbm:s3], $0xF7A  }
0x26: {  	[smem:$0x3F7F] =	sst s1;
	(tag) =	ssettag s2;
	_ =	strace s9  }
0x27: {  	s1 =	sld [smem:$0x3F8F]  }
0x28: {  	s2 =	sld [smem:$0x3F90]  }
0x29: {  	s4 =	sld [smem:$0x3F92]  }
0x2a: {  	p0 =	seq.s32 s5, $0x0;
	s5 =	sld [smem:$0x3F93]  }
0x2b: {  	s6 =	sld [smem:$0x3F94]  }
0x2c: {  	s7 =	sld [smem:$0x3F95]  }
0x2d: {  	s3 =	simm.s32 $0x108;
	s8 =	sld [smem:$0x3F96]  }
0x2e: {  	s3 =	simm.s32 @!p0 $0x1082;
	s9 =	sld [smem:$0x3F97]  }
0x2f: {  	lr =	sadd.s32 s0, s3;
	s0 =	sld [smem:$0x3F8E]  }
0x30: {  	s3 =	sld [smem:$0x3F91]  }
0x31: {  	[smem:$0x3F9A] =	sst s10  }
0x32: {  	s10 =	sld [smem:$0x3F98];
	_ =	sdelay $0x3  }
0x33: {  	p0 =	seq.s32 s10, $0x1;
	s10 =	sld [smem:$0x3F9A];
	_ =	sdelay $0x3  }
0x34: {  	[smem:$0x3F9A] =	sst s10  }
0x35: {  	s10 =	sld [smem:$0x3F99];
	_ =	sdelay $0x3  }
0x36: {  	p1 =	seq.s32 s10, $0x1;
	s10 =	sld [smem:$0x3F9A];
	_ =	sdelay $0x3  }
0x37: {  	[smem:$0x3F9A] =	sst s10  }
0x38: {  	s10 =	sld [smem:$0x3F9B]  }
0x39: {  	_ = 	snop;
	(pc) =	sbr.ind lr, $3  }
0x3a: {  	_ = 	snop  }
0x3b: {  	_ = 	snop  }
0x3c: {  	p2 =	seq.s32 s10, $0x1;
	s10 =	sld [smem:$0x3F9A]  }
0x3d: {  	_ =	shalt  }
0x3e: {  	_ =	shalt  }
0x3f: {  	_ =	shalt  }
0x40: {  	_ =	shalt  }
0x41: {  	_ =	shalt  }
0x42: {  	_ =	shalt  }
0x43: {  	_ =	shalt  }
0x44: {  	_ =	shalt  }
0x45: {  	_ =	shalt  }
0x46: {  	_ =	shalt  }
0x47: {  	_ =	shalt  }
0x48: {  	_ =	shalt  }
0x49: {  	_ =	shalt  }
0x4a: {  	_ =	shalt  }
0x4b: {  	_ =	shalt  }
0x4c: {  	_ =	shalt  }
0x4d: {  	_ =	shalt  }
0x4e: {  	_ =	shalt  }
0x4f: {  	_ =	shalt  }
0x50: {  	_ =	shalt  }
0x51: {  	_ =	shalt  }
0x52: {  	_ =	shalt  }
0x53: {  	_ =	shalt  }
0x54: {  	_ =	shalt  }
0x55: {  	_ =	shalt  }
0x56: {  	_ =	shalt  }
0x57: {  	_ =	shalt  }
0x58: {  	_ =	shalt  }
0x59: {  	_ =	shalt  }
0x5a: {  	_ =	shalt  }
0x5b: {  	_ =	shalt  }
0x5c: {  	_ =	shalt  }
0x5d: {  	_ =	shalt  }
0x5e: {  	_ =	shalt  }
0x5f: {  	_ =	shalt  }
0x60: {  	_ =	shalt  }
0x61: {  	_ =	shalt  }
0x62: {  	_ =	shalt  }
0x63: {  	_ =	shalt  }
0x64: {  	_ =	shalt  }
0x65: {  	_ =	shalt  }
0x66: {  	_ =	shalt  }
0x67: {  	_ =	shalt  }
0x68: {  	_ =	shalt  }
0x69: {  	_ =	shalt  }
0x6a: {  	_ =	shalt  }
0x6b: {  	_ =	shalt  }
0x6c: {  	_ =	shalt  }
0x6d: {  	_ =	shalt  }
0x6e: {  	_ =	shalt  }
0x6f: {  	_ =	shalt  }
0x70: {  	_ =	shalt  }
0x71: {  	_ =	shalt  }
0x72: {  	_ =	shalt  }
0x73: {  	_ =	shalt  }
0x74: {  	_ =	shalt  }
0x75: {  	_ =	shalt  }
0x76: {  	_ =	shalt  }
0x77: {  	_ =	shalt  }
0x78: {  	_ =	shalt  }
0x79: {  	_ =	shalt  }
0x7a: {  	_ =	shalt  }
0x7b: {  	_ =	shalt  }
0x7c: {  	_ =	shalt  }
0x7d: {  	_ =	shalt  }
0x7e: {  	_ =	shalt  }
0x7f: {  	_ =	shalt  }
0x80: {  	_ =	shalt  }
0x81: {  	_ =	shalt  }
0x82: {  	_ =	shalt  }
0x83: {  	_ =	shalt  }
0x84: {  	_ =	shalt  }
0x85: {  	_ =	shalt  }
0x86: {  	_ =	shalt  }
0x87: {  	_ =	shalt  }
.Lfunc_end0:
.L_simem_size_0:
called_computation_lowered:
.L_overlay_start_0:
0x88: {  	s2 =	sld [smem:$0x3FD9]  }
0x89: {  	s3 =	sld [smem:$0x3FFE];
	_ =	sdelay $0x1  }
0x8a: {  	s1 =	srdreg.scid  }
0x8b: {  	s0 =	sand.u32 $0x1, s1  }
0x8c: {  	s17 =	sshll.u32 s0, $0xA;
	s2 =	sadd.s32 s3, s2  }
0x8d: {  	s2 =	sadd.s32 s2, s17  }
0x8e: {  	[smem:$0x3FA6] =	sst s2  }
0x8f: {  	_ = 	snop  }
0x90: {  	s2 =	sld [smem:$0x3FD0];
	(tm) =	ssettm $0x1  }
0x91: {  	s18 =	sld [smem:$0x3FFB];
	_ =	sdelay $0x3  }
0x92: {  	_ =	strace s18  }
0x93: {  	s3 =	sld [smem:$0x3FFC];
	_ =	sdelay $0x3  }
0x94: {  	_ =	strace s3  }
0x95: {  	s3 =	sld [smem:$0x3FFD];
	_ =	sdelay $0x3  }
0x96: {  	_ =	strace s3  }
0x97: {  	_ =	strace $0x8FFFFFFF  }
0x98: {  	s19 =	sld [smem:$0x3FDB];
	_ =	sdelay $0x1  }
0x99: {  	s4 =	simm.s32 $_scs_section_size  }
0x9a: {  	s5 =	simm.s32 $_size__tile_overlayer_lowered;
	s6 =	simm.s32 $_tile_overlayer_lowered  }
0x9b: {  	s22 =	simm.s32 $0x1BFF;
	s21 =	sshll.u32 s6, $0x1;
	s3 =	sadd.s32 s4, s19  }
0x9c: {  	s7 =	simm.s32 $0x0;
	s20 =	sshll.u32 s5, $0x1;
	s5 =	sadd.s32 s21, s3  }
0x9d: {  	[timem:s7], [sflag:s22] =	dma.local [hbm:s5], s20  }
0x9e: {  	_ =	swait.ge [sflag:s22], s20  }
0x9f: {  	s4 =	ssub.s32 $0x0, s20;
	[sflag:s22] =	ssyncset.done $0x0  }
0xa0: {  	[sflag:s22] =	ssyncadd.s32 s4;
	_ =	sdelay $0x1  }
0xa1: {  	s23 =	simm.s32 $0x1B8B  }
0xa2: {  	_ =	swait.ge [sflag:s23], $0x1  }
0xa3: {  	[sflag:s23] =	ssyncset.done $0x0  }
0xa4: {  	s25 =	simm.s32 $0x1B8E;
	s24 =	sld [smem:$0x3FFE];
	[sflag:s23] =	ssyncadd.s32 $0xFFFFFFFF  }
0xa5: {  	s26 =	simm.s32 $execute0_lowered;
	[smem:$0x3FD2] =	sst s25  }
0xa6: {  	s5 =	sshll.u32 s26, $0x1;
	_ =	strace $0x80000046;
	[dreg:$0x1] =	wrdreg $0xFFFFFFFF  }
0xa7: {  	s28 =	simm.s32 $_size_execute0_lowered;
	s3 =	sadd.s32 s3, s5;
	[dreg:$0x0] =	wrdreg $0x0  }
0xa8: {  	s5 =	sshll.u32 s28, $0x1;
	[dreg:$0x2] =	wrdreg s3  }
0xa9: {  	[dreg:$0x3] =	wrdreg s5  }
0xaa: {  	[dreg:$0x4] =	wrdreg $0xC0  }
0xab: {  	_ =	task [dreg:s7], $0x5FFFF  }
0xac: {  	[dreg:$0x1] =	wrdreg $0xFFFFFFFF  }
0xad: {  	[dreg:$0x0] =	wrdreg $0x60  }
0xae: {  	[dreg:$0x2] =	wrdreg s24  }
0xaf: {  	[dreg:$0x3] =	wrdreg s2  }
0xb0: {  	[dreg:$0x4] =	wrdreg $0x9  }
0xb1: {  	_ =	task.clear_ibuf [dreg:s7], $0x5FFFF;
	_ =	strace $0x90000046  }
0xb2: {  	s29 =	simm.s32 $0x9;
	_ =	strace $0x80000048  }
0xb3: {  	_ =	swait.ge [sflag:s29], $0x1  }
0xb4: {  	[sflag:s29] =	ssyncadd.s32 $0xFFFFFFFF  }
0xb5: {  	_ =	strace $0x90000048  }
0xb6: {  	_ =	sfence  }
0xb7: {  	s30 =	sld [smem:$0x0];
	_ =	sdelay $0x2  }
0xb8: {  	s31 =	sshll.u32 s1, $0xD;
	s1 =	sshrl.u32 s1, $0x2  }
0xb9: {  	s3 =	sand.u32 $0x4000, s31;
	s1 =	sadd.s32 s1, s30  }
0xba: {  	s0 =	sor.u32 s3, s0;
	s1 =	sshll.u32 s1, $0x11  }
0xbb: {  	s0 =	sor.u32 s1, s0  }
0xbc: {  	s0 =	sadd.s32 $0x8F2B, s0  }
0xbd: {  	[sflag:s0] =	ssyncadd.remote.s32 $0x1  }
0xbe: {  	_ =	sfence.sel $0xFFFF  }
0xbf: {  	[dreg:$0x0] =	wrdreg $0xFFFFFFFF;
	(pc) =	sbr.abs _section_cstart, $3  }
0xc0: {  	[dreg:$0x1] =	wrdreg $0xFFFFFFFF  }
0xc1: {  	_ =	task.clear_ibuf [dreg:s7], $0x2FFFF;
	_ =	strace $0x9FFFFFFF  }
0xc2: {  	(tm) =	ssettm $0x7FFFFFFF  }
0xc3: {  	_ =	shalt  }
tec
execute0_lowered:
.L_overlay_start_1:
0x0: {  	(tag) =	ssettag $0x1  }
0x1: {  	s0 =	srdreg.scid  }
0x2: {  	s1 =	sshll.u32 s0, $0x4  }
0x3: {  	s0 =	stileid.u32;
	s1 =	sand.u32 $0x10, s1  }
0x4: {  	s2 =	sor.u32 s0, s1  }
0x5: {  	s1 =	smin.u32 s2, $0x2  }
0x6: {  	s1 =	sadd.s32 s2, s1  }
0x7: {  	p0 =	slt.u32 s2, $0x2;
	s2 =	simm.s32 $0xC0;
	s1 =	smul.u32 $0x60, s1  }
0x8: {  	s2 =	simm.s32 @!p0 $0x60  }
0x9: {  	s2 =	sadd.s32 s2, s1  }
0xa: {  	s3 =	smin.u32 s2, $0xCC0  }
0xb: {  	s7 =	ssub.s32 s3, s1  }
0xc: {  	p0 =	sgt.s32 s7, $0x0  }
0xd: {  	s7 =	simm.s32 @!p0 $0x0  }
0xe: {  	s9 =	rddreg [dreg:$0x0];
	s31 =	smul.u32 $0xAAAB, s7  }
0xf: {  	s4 =	rddreg [dreg:$0x1];
	s6 =	simm.s32 $0x1  }
0x10: {  	s11 =	simm.s32 $0x3;
	s13 =	simm.s32 $0x0;
	s8 =	sshrl.u32 s31, $0x16  }
0x11: {  	s12 =	simm.s32 $0x0;
	s5 =	sadd.s32 $0x200, s9;
	s10 =	smul.u32 $0x60, s8  }
.Ltmp0:
0x12: {  	s9 =	sadd.s32 $0x40200, s9;
	s2 =	rddreg [dreg:$0x2];
	(pc) =	sbr.rel .LBB2_1-.Ltmp0, $4  }
0x13: {  	_ =	strace $0x80000047;
	p0 =	sne.s32 s7, s10;
	s10 =	simm.s32 $0x1  }
0x14: {  	[sflag:s6] =	ssyncpa.u1 $0x0;
	s7 =	simm.s32 $0x2;
	s10 =	simm.s32 @!p0 $0x0  }
0x15: {  	[sflag:s7] =	ssyncpa.u1 $0x0;
	p0 =	por $0x0, $0x0;
	s8 =	sadd.s32 s8, s10  }
0x16: {  	vm0 =	vmmov $0xff;
	vm1 =	vcmask $0x3F20;
	[sflag:s11] =	ssyncpa.u1 $0x0;
	s11 =	smov.u32 s1;
	s10 =	sadd.s32 $0x1, s8  }
.LBB2_6:
0x17: {  	[hbm:s17] =	stream.linear.scatter [tilespmem:s14], [sflag:$0x3], $0x400, $0x38;
	[tilespmem:$0x60C0] =	vst v63  }
.LBB2_7:
0x18: {  	s13 =	sadd.s32 $0x60, s11  }
0x19: {  	s15 =	smov.u32 s1;
	p2 =	slt.s32 s13, s3  }
0x1a: {  	s15 =	smov.u32 @p2 s13;
	p2 =	sne.s32 s12, s10  }
.Ltmp1:
0x1b: {  	p1 =	slt.u32 s12, $0x2;
	(pc) =	sbr.rel @!p2 .LBB2_8-.Ltmp1, $4  }
0x1c: {  	s14 =	simm.s32 @!p1 $0x3  }
0x1d: {  	s16 =	sadd.s32 $0x1, s12;
	_ =	swait.ge @!p1 [sflag:s14], $0x3000  }
0x1e: {  	p0 =	por !p0, !p0;
	s13 =	smov.u32 s11;
	[sflag:s14] =	ssyncset.done @!p1 $0x0  }
0x1f: {  	s12 =	smov.u32 s16;
	s11 =	smov.u32 s15;
	[sflag:s14] =	ssyncadd.s32 @!p1 $0xFFFFD000  }
.LBB2_1:
0x20: {  	p1 =	sge.u32 s12, s8  }
0x21: {  	s14 =	sxor.u32 @!p1 $0xFFFFFFFF, s12  }
0x22: {  	s14 =	sand.u32 @!p1 $0x1, s14  }
0x23: {  	s14 =	smul.u32 @!p1 $0x180, s14  }
0x24: {  	s31 =	sadd.s32 $0xFFFFFFFF, s12;
	s15 =	sshrl.u32 @!p1 s11, $0x3  }
0x25: {  	s16 =	sand.u32 @!p1 $0x7, s11;
	s15 =	sadd.s32 @!p1 s9, s15;
	s14 =	sshrl.u32 @!p1 s14, $0x2  }
0x26: {  	[tilespmem:s14], [sflag:$0x2] =	stream.linear.gather @!p1 [hbm4b:s15+s16], $0x60, $0x38;
	[tilespmem:$0x60C0] =	vst v63  }
0x27: {  	p1 =	sge.u32 s31, s8  }
.Ltmp2:
0x28: {  	_ = 	snop;
	(pc) =	sbr.rel @p1 .LBB2_7-.Ltmp2, $1  }
0x29: {  	_ =	sdelay $0x3  }
0x2a: {  	s14 =	simm.s32 $0x1  }
0x2b: {  	s14 =	simm.s32 @!p0 $0x0  }
0x2c: {  	s15 =	smul.u32 $0x180, s14  }
0x2d: {  	_ =	swait.ge [sflag:s7], $0x60  }
0x2e: {  	[sflag:s7] =	ssyncset.done $0x0;
	s16 =	sshrl.u32 s15, $0x2  }
0x2f: {  	[sflag:s7] =	ssyncadd.s32 $0xFFFFFFA0;
	s15 =	sadd.s32 $0x0, s16  }
0x30: {  	v0 =	vld.msk [tilespmem:s15+$0x0 ss:$0x1], $0xffff;
	_ =	sdelay $0x4  }
0x31: {  	v1 =	vshll.u32 v0, $0x3  }
0x32: {  	vm2 =	veq.s32 v0, $0x80000000;
	v0 =	vshll.u32 v0, $0x11;
	v1 =	vand.u32 $0x1FF80, v1  }
0x33: {  	v0 =	vand.u32 $0x1E0000, v0;
	v1 =	vsel vm2, $0xFFFFFF80, v1  }
0x34: {  	v0 =	vsel vm2, $0xFFFE0000, v0;
	v2 =	vand.u32 $0xFFFFFC00, v1  }
0x35: {  	v1 =	vand.u32 $0x380, v1;
	v0 =	vadd.s32 v0, v2  }
0x36: {  	v0 =	vor.u32 v1, v0  }
0x37: {  	v0 =	vshrl.u32 v0, $0x3  }
0x38: {  	s14 =	smul.u32 $0xC000, s14;
	_ =	sdelay $0x1  }
0x39: {  	s14 =	sshrl.u32 s14, $0x2  }
0x3a: {  	s14 =	sor.u32 $0xC0, s14  }
0x3b: {  	[tilespmem:s14], [sflag:$0x1] =	stream.indirect_vreg.gather [hbm:s5], $0x80, v0, vm0, $0x38;
	[tilespmem:$0x60C0] =	vst v63  }
0x3c: {  	s17 =	sadd.s32 $0x10, s16;
	s15 =	sadd.s32 $0x400, s14  }
0x3d: {  	[tilespmem:s15], [sflag:$0x1] =	stream.indirect_vreg.gather [hbm:s5], $0x80, v0, vm1, $0x38;
	[tilespmem:$0x60C0] =	vst v63  }
0x3e: {  	s18 =	simm.s32 $0x80;
	v0 =	vld.msk [tilespmem:s17+$0x0 ss:$0x1], $0xffff;
	s17 =	smov.u32 s14  }
.LBB2_3:
0x3f: {  	p1 =	sne.s32 s18, $0x140;
	_ =	sdelay $0x4  }
0x40: {  	v1 =	vshll.u32 v0, $0x3  }
0x41: {  	vm2 =	veq.s32 v0, $0x80000000;
	v0 =	vshll.u32 v0, $0x11;
	v1 =	vand.u32 $0x1FF80, v1  }
0x42: {  	v0 =	vand.u32 $0x1E0000, v0;
	v1 =	vsel vm2, $0xFFFFFF80, v1  }
0x43: {  	v0 =	vsel vm2, $0xFFFE0000, v0;
	v2 =	vand.u32 $0xFFFFFC00, v1  }
0x44: {  	v1 =	vand.u32 $0x380, v1;
	v0 =	vadd.s32 v0, v2  }
0x45: {  	v0 =	vor.u32 v1, v0  }
0x46: {  	v0 =	vshrl.u32 v0, $0x3;
	_ =	sdelay $0x3  }
.Ltmp3:
0x47: {  	s19 =	sshra.s32 s18, $0x2;
	s17 =	sadd.s32 $0x800, s17;
	(pc) =	sbr.rel @p1 .LBB2_3-.Ltmp3, $4  }
0x48: {  	[tilespmem:s17], [sflag:$0x1] =	stream.indirect_vreg.gather [hbm:s5], $0x80, v0, vm0, $0x38;
	[tilespmem:$0x60C0] =	vst v63  }
0x49: {  	s19 =	sadd.s32 s19, s16;
	s20 =	sadd.s32 $0x400, s17  }
0x4a: {  	[tilespmem:s20], [sflag:$0x1] =	stream.indirect_vreg.gather [hbm:s5], $0x80, v0, vm1, $0x38;
	[tilespmem:$0x60C0] =	vst v63  }
0x4b: {  	s18 =	sadd.s32 $0x40, s18;
	v0 =	vld.msk [tilespmem:s19+$0x0 ss:$0x1], $0xffff  }
0x4c: {  	_ =	sdelay $0x3  }
0x4d: {  	v1 =	vshll.u32 v0, $0x3  }
0x4e: {  	vm2 =	veq.s32 v0, $0x80000000;
	v63 =	vshll.u32 v0, $0x11;
	v1 =	vand.u32 $0x1FF80, v1  }
0x4f: {  	v0 =	vand.u32 $0x1E0000, v63;
	v1 =	vsel vm2, $0xFFFFFF80, v1  }
0x50: {  	v0 =	vsel vm2, $0xFFFE0000, v0;
	v2 =	vand.u32 $0xFFFFFC00, v1  }
0x51: {  	v1 =	vand.u32 $0x380, v1;
	v0 =	vadd.s32 v0, v2  }
0x52: {  	v0 =	vor.u32 v1, v0  }
0x53: {  	v0 =	vshrl.u32 v0, $0x3;
	_ =	sdelay $0x3  }
0x54: {  	s16 =	sadd.s32 $0x800, s17  }
0x55: {  	[tilespmem:s16], [sflag:$0x1] =	stream.indirect_vreg.gather [hbm:s5], $0x80, v0, vm0, $0x38;
	[tilespmem:$0x60C0] =	vst v63  }
0x56: {  	s16 =	sadd.s32 $0x400, s16  }
0x57: {  	[tilespmem:s16], [sflag:$0x1] =	stream.indirect_vreg.gather [hbm:s5], $0x80, v0, vm1, $0x38;
	[tilespmem:$0x60C0] =	vst v63  }
0x58: {  	s13 =	sshll.u32 s13, $0x4;
	_ =	swait.ge [sflag:s6], $0x3000  }
0x59: {  	s13 =	sadd.s32 s13, s4;
	[sflag:s6] =	ssyncset.done $0x0  }
0x5a: {  	s17 =	sadd.s32 $0x0, s13;
	s16 =	simm.s32 $0x80;
	[sflag:s6] =	ssyncadd.s32 $0xFFFFD000  }
.LBB2_5:
0x5b: {  	[hbm:s17] =	stream.linear.scatter [tilespmem:s14], [sflag:$0x3], $0x400, $0x38;
	[tilespmem:$0x60C0] =	vst v63  }
0x5c: {  	s17 =	smov.u32 s16;
	s14 =	smov.u32 s15;
	p1 =	sne.s32 s16, $0x580  }
.Ltmp4:
0x5d: {  	s16 =	sadd.s32 $0x80, s16;
	(pc) =	sbr.rel @p1 .LBB2_5-.Ltmp4, $2  }
0x5e: {  	_ =	sdelay $0x2  }
0x5f: {  	s15 =	sadd.s32 $0x400, s15;
	s17 =	sadd.s32 s17, s13  }
.Ltmp5:
0x60: {  	_ = 	snop;
	(pc) =	sbr.rel .LBB2_6-.Ltmp5, $1  }
0x61: {  	_ =	sdelay $0x3  }
.LBB2_8:
0x62: {  	_ =	sfence.sel $0x180000  }
0x63: {  	s1 =	simm.s32 $0x2;
	[bflag:$0x0] =	sbarrier.arrive $0xFFFF  }
0x64: {  	s30 =	simm.s32 $0x3;
	[sflag:s1] =	ssyncpa.u1 $0x1  }
0x65: {  	s31 =	simm.s32 $0x1;
	[sflag:s30] =	ssyncpa.u1 $0x1  }
0x66: {  	[sflag:s31] =	ssyncpa.u1 $0x1  }
0x67: {  	p0 =	sne.s32 s0, $0x0;
	_ =	strace $0x90000047  }
0x68: {  	s0 =	sadd.s32 @!p0 $0x100000, s2;
	[bflag:$0x2] =	sbarrier.arrive $0xFFFF  }
0x69: {  	[sflag:s0] =	ssyncadd.tile.s32 @!p0 $0x1;
	_ =	shalt  }
.Lfunc_end2:
_tile_overlayer_lowered:
.L_overlay_start_2:
0x6a: {  	(tag) =	ssettag $0x2  }
0x6b: {  	s0 =	rddreg [dreg:$0x0];
	s2 =	stileid.u32  }
0x6c: {  	s1 =	rddreg [dreg:$0x1];
	p0 =	sne.s32 s2, $0x0  }
0x6d: {  	s3 =	rddreg [dreg:$0x2];
	[bflag:$0x3] =	sbarrier.arrive $0xFFFF;
	s2 =	simm.s32 @!p0 $0x1C01  }
0x6e: {  	[timem:s3], [sflag:s2] =	dma.local @!p0 [hbm:s0], s1  }
0x6f: {  	s0 =	simm.s32 @!p0 $0x1  }
0x70: {  	_ =	swait.ge @!p0 [sflag:s0], s1  }
0x71: {  	s1 =	ssub.s32 @!p0 $0x0, s1;
	[sflag:s0] =	ssyncset.done @!p0 $0x0  }
0x72: {  	[sflag:s0] =	ssyncadd.s32 @!p0 s1  }
0x73: {  	[bflag:$0x3] =	sbarrier.arrive $0xFFFF  }
0x74: {  	_ =	shalt  }

</sc_bundles>
